<compile_context>
chip_gen: v7x
topology: tpu7x:2x2x1
jax: 0.10.2.dev20260603
libtpu: 0.0.44.dev20260713+nightly
codegen_flags: <defaults>
</compile_context>

<pallas_src>
import functools

import jax
import jax.numpy as jnp
from jax import lax
from jax.experimental import pallas as pl
from jax.experimental.pallas import tpu as pltpu
from jax.experimental.pallas import tpu_sc as plsc

_BM = 4096
_CH = 128


def _row_index_kernel(n, a_ref, out_ref):
    i = pl.program_id(0)
    w_all = a_ref.bitcast(jnp.int32)[...]
    pm = w_all.shape[0]
    lane = lax.broadcasted_iota(jnp.int32, (pm, 128), 1)
    acc_l = jnp.zeros((pm, 128), jnp.int32)
    acc_v = jnp.zeros((pm, 128), jnp.int32)
    for v in range(n // 128):
        w = lax.slice_in_dim(w_all, v * 128, (v + 1) * 128, axis=1)
        acc_l = acc_l + w * lane
        acc_v = acc_v + w * v
    sl = jnp.sum(acc_l, axis=1)
    sv = jnp.sum(acc_v, axis=1)
    base = (i * _BM + 4 * lax.iota(jnp.int32, pm)) // n * n
    for k in range(4):
        lo = (sl >> (8 * k)) & 255
        hi = (sv >> (8 * k)) & 255
        out_ref[0, k, :] = (hi << 7) + lo + base


def _extract_indices(a_b, n):
    rows, _ = a_b.shape
    nb = rows // _BM
    out = pl.pallas_call(
        functools.partial(_row_index_kernel, n),
        grid=(nb,),
        in_specs=[pl.BlockSpec((_BM, n), lambda i: (i, 0))],
        out_specs=pl.BlockSpec((1, 4, _BM // 4), lambda i: (i, 0, 0)),
        out_shape=jax.ShapeDtypeStruct((nb, 4, _BM // 4), jnp.int32),
        compiler_params=pltpu.CompilerParams(
            dimension_semantics=("parallel",)),
    )(a_b.view(jnp.int8))
    return out.transpose(0, 2, 1).reshape(rows)


def _sc_gather(table, idx2d):
    rows, d = table.shape
    info = plsc.get_sparse_core_info()
    nc, ns = info.num_cores, info.num_subcores
    nw = nc * ns
    per_w = rows // nw
    k = per_w // _CH
    mesh = plsc.VectorSubcoreMesh(core_axis_name="c", subcore_axis_name="s")

    @functools.partial(
        pl.kernel,
        mesh=mesh,
        out_type=jax.ShapeDtypeStruct((rows, d), jnp.float32),
        scratch_types=[
            pltpu.VMEM((k, _CH), jnp.int32),
            pltpu.VMEM((per_w, d), jnp.float32),
            pltpu.SemaphoreType.DMA,
        ],
    )
    def run(tab_hbm, idx_hbm, out_hbm, idx_v, rows_v, sem):
        wid = lax.axis_index("s") * nc + lax.axis_index("c")
        base = wid * per_w
        pltpu.sync_copy(idx_hbm.at[pl.ds(wid * k, k)], idx_v)
        copies = [
            pltpu.async_copy(tab_hbm.at[idx_v.at[j]],
                             rows_v.at[pl.ds(j * _CH, _CH)], sem)
            for j in range(k)
        ]
        for c in copies:
            c.wait()
        pltpu.sync_copy(rows_v, out_hbm.at[pl.ds(base, per_w)])

    return run(table, idx2d)


def kernel(entities, assignments):
    b, n, d = entities.shape
    flat_idx = _extract_indices(assignments.reshape(b * n, n), n)
    out = _sc_gather(entities.reshape(b * n, d), flat_idx.reshape(-1, _CH))
    return out.reshape(b, n, d)

# --- scband reference (transcript-rebuilt; emitter-appended) ---
"""Pipeline reference for scband-entities-rearrangement-85968065397427 (READ-ONLY COPY).

The authoritative reference and input builder live on the scoring server;
editing this copy changes nothing except your own understanding.
"""

import jax, jax.numpy as jnp
import numpy as np

B, N, D = 8, 2048, 128

def setup_inputs(seed: int = 0) -> dict:
    key = jax.random.key(seed)
    k_ent, k_perm = jax.random.split(key)
    entities = jax.random.normal(k_ent, (B, N, D), dtype=jnp.float32)
    # Build per-batch permutation matrices (exactly one True per row),
    # matching the structural requirement of the original layer
    # (tf.where(assignments) must yield exactly B*N entries in row-major order).
    perms = jnp.stack([jax.random.permutation(jax.random.fold_in(k_perm, b), N) for b in range(B)], axis=0)  # [B, N]
    assignments = perms[:, :, None] == jnp.arange(N)[None, None, :]  # bool [B, N, N]
    return {"entities": entities, "assignments": assignments}

def reference(entities, assignments):
    # Faithful translation of:
    #   order = tf.gather(tf.where(assignments), indices=[0, 2], axis=1)
    #   return tf.reshape(tf.gather_nd(entities, order), entities.shape)
    # tf.where returns nonzero indices in row-major (C) order, same as jnp.nonzero.
    b, n, d = entities.shape
    nnz = b * n  # one nonzero per (batch, row) since assignments is a permutation matrix
    b_idx, i_idx, j_idx = jnp.nonzero(assignments, size=nnz)
    # order = columns [0, 2] of the where-indices -> (batch, source_entity)
    gathered = entities[b_idx, j_idx]  # gather_nd equivalent, shape [B*N, D]
    return gathered.reshape(entities.shape)

if __name__ == "__main__":
    import jax
    _d = setup_inputs()
    print(jax.jit(kernel)(*tuple(_d.values())))

</pallas_src>

<mosaic_0001>
#map = affine_map<(d0, d1) -> (0, 0)>
module attributes {stable_mosaic.version = 14 : i64} {
  func.func @run(%arg0: i32, %arg1: i32, %arg2: memref<16384x128xf32, #tpu.memory_space<hbm>>, %arg3: memref<128x128xi32, #tpu.memory_space<hbm>>, %arg4: memref<16384x128xf32, #tpu.memory_space<hbm>>, %arg5: memref<4x128xi32, #tpu.memory_space<vmem>>, %arg6: memref<512x128xf32, #tpu.memory_space<vmem>>, %arg7: memref<!tpu.dma_semaphore, #tpu.memory_space<semaphore_mem>>) attributes {dimension_semantics = [#tpu.dimension_semantics<core_parallel>, #tpu.dimension_semantics<subcore_parallel>], iteration_bounds = array<i64: 2, 16>, scalar_prefetch = 0 : i64, scratch_operands = 3 : i64, tpu.core_type = #tpu.core_type<sc_vector_subcore>, window_params = [{transform_indices = #map}, {transform_indices = #map}, {transform_indices = #map}]} {
    %mul3A = arith.constant 2 : i32
    %mul3A_0 = arith.muli %arg1, %mul3A : i32
    %add3A = arith.addi %mul3A_0, %arg0 : i32
    %mul3A_1 = arith.constant 512 : i32
    %mul3A_2 = arith.muli %add3A, %mul3A_1 : i32
    %mul3A_3 = arith.constant 4 : i32
    %mul3A_4 = arith.muli %add3A, %mul3A_3 : i32
    "tpu.region"() ({
      %run_scoped3A = tpu.sem_alloc : memref<!tpu.dma_semaphore, #tpu.memory_space<semaphore_mem>>
      %dma_start3A_83 = arith.constant 0 : i32
      %dma_start3A_84 = tpu.memref_slice %arg3[%mul3A_4, %dma_start3A_83] : memref<128x128xi32, #tpu.memory_space<hbm>> -> memref<4x128xi32, #tpu.memory_space<hbm>>
      %dma_start3A_85 = arith.constant 0 : i32
      %dma_start3A_86 = tpu.memref_slice %arg3[%mul3A_4, %dma_start3A_85] : memref<128x128xi32, #tpu.memory_space<hbm>> -> memref<4x128xi32, #tpu.memory_space<hbm>>
      tpu.enqueue_dma source(%dma_start3A_86 : memref<4x128xi32, #tpu.memory_space<hbm>>) target(%arg5 : memref<4x128xi32, #tpu.memory_space<vmem>>) target_semaphore(%run_scoped3A : memref<!tpu.dma_semaphore, #tpu.memory_space<semaphore_mem>>)
      %dma_wait3A_87 = arith.constant 0 : i32
      %dma_wait3A_88 = tpu.memref_slice %arg3[%mul3A_4, %dma_wait3A_87] : memref<128x128xi32, #tpu.memory_space<hbm>> -> memref<4x128xi32, #tpu.memory_space<hbm>>
      %dma_wait3A_89 = arith.constant 0 : i32
      %dma_wait3A_90 = tpu.memref_slice %arg3[%mul3A_4, %dma_wait3A_89] : memref<128x128xi32, #tpu.memory_space<hbm>> -> memref<4x128xi32, #tpu.memory_space<hbm>>
      tpu.wait_dma2 semaphore(%run_scoped3A : memref<!tpu.dma_semaphore, #tpu.memory_space<semaphore_mem>>) src(%dma_wait3A_90 : memref<4x128xi32, #tpu.memory_space<hbm>>) dst(%arg5 : memref<4x128xi32, #tpu.memory_space<vmem>>)
      tpu.yield
    }) : () -> ()
    %dma_start3A = arith.constant 0 : i32
    %dma_start3A_5 = arith.constant 0 : i32
    %dma_start3A_6 = arith.constant 0 : i32
    %dma_start3A_7 = tpu.memref_slice %arg6[%dma_start3A_5, %dma_start3A_6] : memref<512x128xf32, #tpu.memory_space<vmem>> -> memref<128x128xf32, #tpu.memory_space<vmem>>
    %dma_start3A_8 = arith.constant 0 : i32
    %dma_start3A_9 = tpu.memref_slice %arg5[%dma_start3A, %dma_start3A_8] : memref<4x128xi32, #tpu.memory_space<vmem>> -> memref<1x128xi32, #tpu.memory_space<vmem>>
    %dma_start3A_10 = tpu.memref_squeeze %dma_start3A_9 : memref<1x128xi32, #tpu.memory_space<vmem>> -> memref<128xi32, #tpu.memory_space<vmem>>
    %dma_start3A_11 = arith.constant 0 : i32
    %dma_start3A_12 = arith.constant 0 : i32
    %dma_start3A_13 = tpu.memref_slice %arg2[%dma_start3A_11, %dma_start3A_12] : memref<16384x128xf32, #tpu.memory_space<hbm>> -> memref<16384x128xf32, #tpu.memory_space<hbm>>
    tpu.enqueue_indirect_dma source(%dma_start3A_13 : memref<16384x128xf32, #tpu.memory_space<hbm>>) target(%dma_start3A_7 : memref<128x128xf32, #tpu.memory_space<vmem>>) offsets(%dma_start3A_10 : memref<128xi32, #tpu.memory_space<vmem>>) semaphore(%arg7 : memref<!tpu.dma_semaphore, #tpu.memory_space<semaphore_mem>>)
    %dma_start3A_14 = arith.constant 1 : i32
    %dma_start3A_15 = arith.constant 128 : i32
    %dma_start3A_16 = arith.constant 0 : i32
    %dma_start3A_17 = tpu.memref_slice %arg6[%dma_start3A_15, %dma_start3A_16] : memref<512x128xf32, #tpu.memory_space<vmem>> -> memref<128x128xf32, #tpu.memory_space<vmem>>
    %dma_start3A_18 = arith.constant 0 : i32
    %dma_start3A_19 = tpu.memref_slice %arg5[%dma_start3A_14, %dma_start3A_18] : memref<4x128xi32, #tpu.memory_space<vmem>> -> memref<1x128xi32, #tpu.memory_space<vmem>>
    %dma_start3A_20 = tpu.memref_squeeze %dma_start3A_19 : memref<1x128xi32, #tpu.memory_space<vmem>> -> memref<128xi32, #tpu.memory_space<vmem>>
    %dma_start3A_21 = arith.constant 0 : i32
    %dma_start3A_22 = arith.constant 0 : i32
    %dma_start3A_23 = tpu.memref_slice %arg2[%dma_start3A_21, %dma_start3A_22] : memref<16384x128xf32, #tpu.memory_space<hbm>> -> memref<16384x128xf32, #tpu.memory_space<hbm>>
    tpu.enqueue_indirect_dma source(%dma_start3A_23 : memref<16384x128xf32, #tpu.memory_space<hbm>>) target(%dma_start3A_17 : memref<128x128xf32, #tpu.memory_space<vmem>>) offsets(%dma_start3A_20 : memref<128xi32, #tpu.memory_space<vmem>>) semaphore(%arg7 : memref<!tpu.dma_semaphore, #tpu.memory_space<semaphore_mem>>)
    %dma_start3A_24 = arith.constant 2 : i32
    %dma_start3A_25 = arith.constant 256 : i32
    %dma_start3A_26 = arith.constant 0 : i32
    %dma_start3A_27 = tpu.memref_slice %arg6[%dma_start3A_25, %dma_start3A_26] : memref<512x128xf32, #tpu.memory_space<vmem>> -> memref<128x128xf32, #tpu.memory_space<vmem>>
    %dma_start3A_28 = arith.constant 0 : i32
    %dma_start3A_29 = tpu.memref_slice %arg5[%dma_start3A_24, %dma_start3A_28] : memref<4x128xi32, #tpu.memory_space<vmem>> -> memref<1x128xi32, #tpu.memory_space<vmem>>
    %dma_start3A_30 = tpu.memref_squeeze %dma_start3A_29 : memref<1x128xi32, #tpu.memory_space<vmem>> -> memref<128xi32, #tpu.memory_space<vmem>>
    %dma_start3A_31 = arith.constant 0 : i32
    %dma_start3A_32 = arith.constant 0 : i32
    %dma_start3A_33 = tpu.memref_slice %arg2[%dma_start3A_31, %dma_start3A_32] : memref<16384x128xf32, #tpu.memory_space<hbm>> -> memref<16384x128xf32, #tpu.memory_space<hbm>>
    tpu.enqueue_indirect_dma source(%dma_start3A_33 : memref<16384x128xf32, #tpu.memory_space<hbm>>) target(%dma_start3A_27 : memref<128x128xf32, #tpu.memory_space<vmem>>) offsets(%dma_start3A_30 : memref<128xi32, #tpu.memory_space<vmem>>) semaphore(%arg7 : memref<!tpu.dma_semaphore, #tpu.memory_space<semaphore_mem>>)
    %dma_start3A_34 = arith.constant 3 : i32
    %dma_start3A_35 = arith.constant 384 : i32
    %dma_start3A_36 = arith.constant 0 : i32
    %dma_start3A_37 = tpu.memref_slice %arg6[%dma_start3A_35, %dma_start3A_36] : memref<512x128xf32, #tpu.memory_space<vmem>> -> memref<128x128xf32, #tpu.memory_space<vmem>>
    %dma_start3A_38 = arith.constant 0 : i32
    %dma_start3A_39 = tpu.memref_slice %arg5[%dma_start3A_34, %dma_start3A_38] : memref<4x128xi32, #tpu.memory_space<vmem>> -> memref<1x128xi32, #tpu.memory_space<vmem>>
    %dma_start3A_40 = tpu.memref_squeeze %dma_start3A_39 : memref<1x128xi32, #tpu.memory_space<vmem>> -> memref<128xi32, #tpu.memory_space<vmem>>
    %dma_start3A_41 = arith.constant 0 : i32
    %dma_start3A_42 = arith.constant 0 : i32
    %dma_start3A_43 = tpu.memref_slice %arg2[%dma_start3A_41, %dma_start3A_42] : memref<16384x128xf32, #tpu.memory_space<hbm>> -> memref<16384x128xf32, #tpu.memory_space<hbm>>
    tpu.enqueue_indirect_dma source(%dma_start3A_43 : memref<16384x128xf32, #tpu.memory_space<hbm>>) target(%dma_start3A_37 : memref<128x128xf32, #tpu.memory_space<vmem>>) offsets(%dma_start3A_40 : memref<128xi32, #tpu.memory_space<vmem>>) semaphore(%arg7 : memref<!tpu.dma_semaphore, #tpu.memory_space<semaphore_mem>>)
    %dma_wait3A = arith.constant 0 : i32
    %dma_wait3A_44 = arith.constant 0 : i32
    %dma_wait3A_45 = arith.constant 0 : i32
    %dma_wait3A_46 = tpu.memref_slice %arg6[%dma_wait3A_44, %dma_wait3A_45] : memref<512x128xf32, #tpu.memory_space<vmem>> -> memref<128x128xf32, #tpu.memory_space<vmem>>
    %dma_wait3A_47 = arith.constant 0 : i32
    %dma_wait3A_48 = tpu.memref_slice %arg5[%dma_wait3A, %dma_wait3A_47] : memref<4x128xi32, #tpu.memory_space<vmem>> -> memref<1x128xi32, #tpu.memory_space<vmem>>
    %dma_wait3A_49 = tpu.memref_squeeze %dma_wait3A_48 : memref<1x128xi32, #tpu.memory_space<vmem>> -> memref<128xi32, #tpu.memory_space<vmem>>
    %dma_wait3A_50 = arith.constant 0 : i32
    %dma_wait3A_51 = arith.constant 0 : i32
    %dma_wait3A_52 = tpu.memref_slice %arg2[%dma_wait3A_50, %dma_wait3A_51] : memref<16384x128xf32, #tpu.memory_space<hbm>> -> memref<16384x128xf32, #tpu.memory_space<hbm>>
    tpu.wait_indirect_dma semaphore(%arg7 : memref<!tpu.dma_semaphore, #tpu.memory_space<semaphore_mem>>) src(%dma_wait3A_52 : memref<16384x128xf32, #tpu.memory_space<hbm>>) dst(%dma_wait3A_46 : memref<128x128xf32, #tpu.memory_space<vmem>>)
    %dma_wait3A_53 = arith.constant 1 : i32
    %dma_wait3A_54 = arith.constant 128 : i32
    %dma_wait3A_55 = arith.constant 0 : i32
    %dma_wait3A_56 = tpu.memref_slice %arg6[%dma_wait3A_54, %dma_wait3A_55] : memref<512x128xf32, #tpu.memory_space<vmem>> -> memref<128x128xf32, #tpu.memory_space<vmem>>
    %dma_wait3A_57 = arith.constant 0 : i32
    %dma_wait3A_58 = tpu.memref_slice %arg5[%dma_wait3A_53, %dma_wait3A_57] : memref<4x128xi32, #tpu.memory_space<vmem>> -> memref<1x128xi32, #tpu.memory_space<vmem>>
    %dma_wait3A_59 = tpu.memref_squeeze %dma_wait3A_58 : memref<1x128xi32, #tpu.memory_space<vmem>> -> memref<128xi32, #tpu.memory_space<vmem>>
    %dma_wait3A_60 = arith.constant 0 : i32
    %dma_wait3A_61 = arith.constant 0 : i32
    %dma_wait3A_62 = tpu.memref_slice %arg2[%dma_wait3A_60, %dma_wait3A_61] : memref<16384x128xf32, #tpu.memory_space<hbm>> -> memref<16384x128xf32, #tpu.memory_space<hbm>>
    tpu.wait_indirect_dma semaphore(%arg7 : memref<!tpu.dma_semaphore, #tpu.memory_space<semaphore_mem>>) src(%dma_wait3A_62 : memref<16384x128xf32, #tpu.memory_space<hbm>>) dst(%dma_wait3A_56 : memref<128x128xf32, #tpu.memory_space<vmem>>)
    %dma_wait3A_63 = arith.constant 2 : i32
    %dma_wait3A_64 = arith.constant 256 : i32
    %dma_wait3A_65 = arith.constant 0 : i32
    %dma_wait3A_66 = tpu.memref_slice %arg6[%dma_wait3A_64, %dma_wait3A_65] : memref<512x128xf32, #tpu.memory_space<vmem>> -> memref<128x128xf32, #tpu.memory_space<vmem>>
    %dma_wait3A_67 = arith.constant 0 : i32
    %dma_wait3A_68 = tpu.memref_slice %arg5[%dma_wait3A_63, %dma_wait3A_67] : memref<4x128xi32, #tpu.memory_space<vmem>> -> memref<1x128xi32, #tpu.memory_space<vmem>>
    %dma_wait3A_69 = tpu.memref_squeeze %dma_wait3A_68 : memref<1x128xi32, #tpu.memory_space<vmem>> -> memref<128xi32, #tpu.memory_space<vmem>>
    %dma_wait3A_70 = arith.constant 0 : i32
    %dma_wait3A_71 = arith.constant 0 : i32
    %dma_wait3A_72 = tpu.memref_slice %arg2[%dma_wait3A_70, %dma_wait3A_71] : memref<16384x128xf32, #tpu.memory_space<hbm>> -> memref<16384x128xf32, #tpu.memory_space<hbm>>
    tpu.wait_indirect_dma semaphore(%arg7 : memref<!tpu.dma_semaphore, #tpu.memory_space<semaphore_mem>>) src(%dma_wait3A_72 : memref<16384x128xf32, #tpu.memory_space<hbm>>) dst(%dma_wait3A_66 : memref<128x128xf32, #tpu.memory_space<vmem>>)
    %dma_wait3A_73 = arith.constant 3 : i32
    %dma_wait3A_74 = arith.constant 384 : i32
    %dma_wait3A_75 = arith.constant 0 : i32
    %dma_wait3A_76 = tpu.memref_slice %arg6[%dma_wait3A_74, %dma_wait3A_75] : memref<512x128xf32, #tpu.memory_space<vmem>> -> memref<128x128xf32, #tpu.memory_space<vmem>>
    %dma_wait3A_77 = arith.constant 0 : i32
    %dma_wait3A_78 = tpu.memref_slice %arg5[%dma_wait3A_73, %dma_wait3A_77] : memref<4x128xi32, #tpu.memory_space<vmem>> -> memref<1x128xi32, #tpu.memory_space<vmem>>
    %dma_wait3A_79 = tpu.memref_squeeze %dma_wait3A_78 : memref<1x128xi32, #tpu.memory_space<vmem>> -> memref<128xi32, #tpu.memory_space<vmem>>
    %dma_wait3A_80 = arith.constant 0 : i32
    %dma_wait3A_81 = arith.constant 0 : i32
    %dma_wait3A_82 = tpu.memref_slice %arg2[%dma_wait3A_80, %dma_wait3A_81] : memref<16384x128xf32, #tpu.memory_space<hbm>> -> memref<16384x128xf32, #tpu.memory_space<hbm>>
    tpu.wait_indirect_dma semaphore(%arg7 : memref<!tpu.dma_semaphore, #tpu.memory_space<semaphore_mem>>) src(%dma_wait3A_82 : memref<16384x128xf32, #tpu.memory_space<hbm>>) dst(%dma_wait3A_76 : memref<128x128xf32, #tpu.memory_space<vmem>>)
    "tpu.region"() ({
      %run_scoped3A = tpu.sem_alloc : memref<!tpu.dma_semaphore, #tpu.memory_space<semaphore_mem>>
      %dma_start3A_83 = arith.constant 0 : i32
      %dma_start3A_84 = tpu.memref_slice %arg4[%mul3A_2, %dma_start3A_83] : memref<16384x128xf32, #tpu.memory_space<hbm>> -> memref<512x128xf32, #tpu.memory_space<hbm>>
      %dma_start3A_85 = arith.constant 0 : i32
      %dma_start3A_86 = tpu.memref_slice %arg4[%mul3A_2, %dma_start3A_85] : memref<16384x128xf32, #tpu.memory_space<hbm>> -> memref<512x128xf32, #tpu.memory_space<hbm>>
      tpu.enqueue_dma source(%arg6 : memref<512x128xf32, #tpu.memory_space<vmem>>) target(%dma_start3A_86 : memref<512x128xf32, #tpu.memory_space<hbm>>) target_semaphore(%run_scoped3A : memref<!tpu.dma_semaphore, #tpu.memory_space<semaphore_mem>>)
      %dma_wait3A_87 = arith.constant 0 : i32
      %dma_wait3A_88 = tpu.memref_slice %arg4[%mul3A_2, %dma_wait3A_87] : memref<16384x128xf32, #tpu.memory_space<hbm>> -> memref<512x128xf32, #tpu.memory_space<hbm>>
      %dma_wait3A_89 = arith.constant 0 : i32
      %dma_wait3A_90 = tpu.memref_slice %arg4[%mul3A_2, %dma_wait3A_89] : memref<16384x128xf32, #tpu.memory_space<hbm>> -> memref<512x128xf32, #tpu.memory_space<hbm>>
      tpu.wait_dma2 semaphore(%run_scoped3A : memref<!tpu.dma_semaphore, #tpu.memory_space<semaphore_mem>>) src(%arg6 : memref<512x128xf32, #tpu.memory_space<vmem>>) dst(%dma_wait3A_90 : memref<512x128xf32, #tpu.memory_space<hbm>>)
      tpu.yield
    }) : () -> ()
    return
  }
}

module attributes {stable_mosaic.version = 14 : i64} {
  func.func @_row_index_kernel(%arg0: i32, %arg1: memref<4096x2048xi8, #tpu.memory_space<vmem>>, %arg2: memref<1x4x1024xi32, #tpu.memory_space<vmem>>) attributes {dimension_semantics = [#tpu.dimension_semantics<parallel>], iteration_bounds = array<i64: 4>, scalar_prefetch = 0 : i64, scratch_operands = 0 : i64, tpu.core_type = #tpu.core_type<tc>, window_params = [{transform_indices = @transform_0, window_bounds = array<i64: 4096, 2048>}, {transform_indices = @transform_1, window_bounds = array<i64: 1, 4, 1024>}]} {
    %get3A = tpu.memref_bitcast %arg1 : memref<4096x2048xi8, #tpu.memory_space<vmem>> -> memref<1024x2048xi32, #tpu.memory_space<vmem>>
    %get3A_0 = arith.constant 0 : index
    %get3A_1 = arith.constant 0 : index
    %get3A_2 = vector.load %get3A[%get3A_0, %get3A_1] : memref<1024x2048xi32, #tpu.memory_space<vmem>>, vector<1024x2048xi32>
    %iota3A = tpu.iota {dimensions = array<i32: 1>} : vector<1024x128xi32>
    %broadcast_in_dim3A = arith.constant 0 : i32
    %broadcast_in_dim3A_3 = vector.broadcast %broadcast_in_dim3A : i32 to vector<1024x128xi32>
    %broadcast_in_dim3A_4 = arith.constant 0 : i32
    %broadcast_in_dim3A_5 = vector.broadcast %broadcast_in_dim3A_4 : i32 to vector<1024x128xi32>
    %slice3A = vector.extract_strided_slice %get3A_2 {offsets = [0, 0], sizes = [1024, 128], strides = [1, 1]} : vector<1024x2048xi32> to vector<1024x128xi32>
    %mul3A = arith.muli %slice3A, %iota3A : vector<1024x128xi32>
    %add3A = arith.addi %broadcast_in_dim3A_3, %mul3A : vector<1024x128xi32>
    %mul3A_6 = arith.constant 0 : i32
    %mul3A_7 = vector.broadcast %mul3A_6 : i32 to vector<1024x128xi32>
    %mul3A_8 = arith.muli %slice3A, %mul3A_7 : vector<1024x128xi32>
    %add3A_9 = arith.addi %broadcast_in_dim3A_5, %mul3A_8 : vector<1024x128xi32>
    %slice3A_10 = vector.extract_strided_slice %get3A_2 {offsets = [0, 128], sizes = [1024, 128], strides = [1, 1]} : vector<1024x2048xi32> to vector<1024x128xi32>
    %mul3A_11 = arith.muli %slice3A_10, %iota3A : vector<1024x128xi32>
    %add3A_12 = arith.addi %add3A, %mul3A_11 : vector<1024x128xi32>
    %mul3A_13 = arith.constant 1 : i32
    %mul3A_14 = vector.broadcast %mul3A_13 : i32 to vector<1024x128xi32>
    %mul3A_15 = arith.muli %slice3A_10, %mul3A_14 : vector<1024x128xi32>
    %add3A_16 = arith.addi %add3A_9, %mul3A_15 : vector<1024x128xi32>
    %slice3A_17 = vector.extract_strided_slice %get3A_2 {offsets = [0, 256], sizes = [1024, 128], strides = [1, 1]} : vector<1024x2048xi32> to vector<1024x128xi32>
    %mul3A_18 = arith.muli %slice3A_17, %iota3A : vector<1024x128xi32>
    %add3A_19 = arith.addi %add3A_12, %mul3A_18 : vector<1024x128xi32>
    %mul3A_20 = arith.constant 2 : i32
    %mul3A_21 = vector.broadcast %mul3A_20 : i32 to vector<1024x128xi32>
    %mul3A_22 = arith.muli %slice3A_17, %mul3A_21 : vector<1024x128xi32>
    %add3A_23 = arith.addi %add3A_16, %mul3A_22 : vector<1024x128xi32>
    %slice3A_24 = vector.extract_strided_slice %get3A_2 {offsets = [0, 384], sizes = [1024, 128], strides = [1, 1]} : vector<1024x2048xi32> to vector<1024x128xi32>
    %mul3A_25 = arith.muli %slice3A_24, %iota3A : vector<1024x128xi32>
    %add3A_26 = arith.addi %add3A_19, %mul3A_25 : vector<1024x128xi32>
    %mul3A_27 = arith.constant 3 : i32
    %mul3A_28 = vector.broadcast %mul3A_27 : i32 to vector<1024x128xi32>
    %mul3A_29 = arith.muli %slice3A_24, %mul3A_28 : vector<1024x128xi32>
    %add3A_30 = arith.addi %add3A_23, %mul3A_29 : vector<1024x128xi32>
    %slice3A_31 = vector.extract_strided_slice %get3A_2 {offsets = [0, 512], sizes = [1024, 128], strides = [1, 1]} : vector<1024x2048xi32> to vector<1024x128xi32>
    %mul3A_32 = arith.muli %slice3A_31, %iota3A : vector<1024x128xi32>
    %add3A_33 = arith.addi %add3A_26, %mul3A_32 : vector<1024x128xi32>
    %mul3A_34 = arith.constant 4 : i32
    %mul3A_35 = vector.broadcast %mul3A_34 : i32 to vector<1024x128xi32>
    %mul3A_36 = arith.muli %slice3A_31, %mul3A_35 : vector<1024x128xi32>
    %add3A_37 = arith.addi %add3A_30, %mul3A_36 : vector<1024x128xi32>
    %slice3A_38 = vector.extract_strided_slice %get3A_2 {offsets = [0, 640], sizes = [1024, 128], strides = [1, 1]} : vector<1024x2048xi32> to vector<1024x128xi32>
    %mul3A_39 = arith.muli %slice3A_38, %iota3A : vector<1024x128xi32>
    %add3A_40 = arith.addi %add3A_33, %mul3A_39 : vector<1024x128xi32>
    %mul3A_41 = arith.constant 5 : i32
    %mul3A_42 = vector.broadcast %mul3A_41 : i32 to vector<1024x128xi32>
    %mul3A_43 = arith.muli %slice3A_38, %mul3A_42 : vector<1024x128xi32>
    %add3A_44 = arith.addi %add3A_37, %mul3A_43 : vector<1024x128xi32>
    %slice3A_45 = vector.extract_strided_slice %get3A_2 {offsets = [0, 768], sizes = [1024, 128], strides = [1, 1]} : vector<1024x2048xi32> to vector<1024x128xi32>
    %mul3A_46 = arith.muli %slice3A_45, %iota3A : vector<1024x128xi32>
    %add3A_47 = arith.addi %add3A_40, %mul3A_46 : vector<1024x128xi32>
    %mul3A_48 = arith.constant 6 : i32
    %mul3A_49 = vector.broadcast %mul3A_48 : i32 to vector<1024x128xi32>
    %mul3A_50 = arith.muli %slice3A_45, %mul3A_49 : vector<1024x128xi32>
    %add3A_51 = arith.addi %add3A_44, %mul3A_50 : vector<1024x128xi32>
    %slice3A_52 = vector.extract_strided_slice %get3A_2 {offsets = [0, 896], sizes = [1024, 128], strides = [1, 1]} : vector<1024x2048xi32> to vector<1024x128xi32>
    %mul3A_53 = arith.muli %slice3A_52, %iota3A : vector<1024x128xi32>
    %add3A_54 = arith.addi %add3A_47, %mul3A_53 : vector<1024x128xi32>
    %mul3A_55 = arith.constant 7 : i32
    %mul3A_56 = vector.broadcast %mul3A_55 : i32 to vector<1024x128xi32>
    %mul3A_57 = arith.muli %slice3A_52, %mul3A_56 : vector<1024x128xi32>
    %add3A_58 = arith.addi %add3A_51, %mul3A_57 : vector<1024x128xi32>
    %slice3A_59 = vector.extract_strided_slice %get3A_2 {offsets = [0, 1024], sizes = [1024, 128], strides = [1, 1]} : vector<1024x2048xi32> to vector<1024x128xi32>
    %mul3A_60 = arith.muli %slice3A_59, %iota3A : vector<1024x128xi32>
    %add3A_61 = arith.addi %add3A_54, %mul3A_60 : vector<1024x128xi32>
    %mul3A_62 = arith.constant 8 : i32
    %mul3A_63 = vector.broadcast %mul3A_62 : i32 to vector<1024x128xi32>
    %mul3A_64 = arith.muli %slice3A_59, %mul3A_63 : vector<1024x128xi32>
    %add3A_65 = arith.addi %add3A_58, %mul3A_64 : vector<1024x128xi32>
    %slice3A_66 = vector.extract_strided_slice %get3A_2 {offsets = [0, 1152], sizes = [1024, 128], strides = [1, 1]} : vector<1024x2048xi32> to vector<1024x128xi32>
    %mul3A_67 = arith.muli %slice3A_66, %iota3A : vector<1024x128xi32>
    %add3A_68 = arith.addi %add3A_61, %mul3A_67 : vector<1024x128xi32>
    %mul3A_69 = arith.constant 9 : i32
    %mul3A_70 = vector.broadcast %mul3A_69 : i32 to vector<1024x128xi32>
    %mul3A_71 = arith.muli %slice3A_66, %mul3A_70 : vector<1024x128xi32>
    %add3A_72 = arith.addi %add3A_65, %mul3A_71 : vector<1024x128xi32>
    %slice3A_73 = vector.extract_strided_slice %get3A_2 {offsets = [0, 1280], sizes = [1024, 128], strides = [1, 1]} : vector<1024x2048xi32> to vector<1024x128xi32>
    %mul3A_74 = arith.muli %slice3A_73, %iota3A : vector<1024x128xi32>
    %add3A_75 = arith.addi %add3A_68, %mul3A_74 : vector<1024x128xi32>
    %mul3A_76 = arith.constant 10 : i32
    %mul3A_77 = vector.broadcast %mul3A_76 : i32 to vector<1024x128xi32>
    %mul3A_78 = arith.muli %slice3A_73, %mul3A_77 : vector<1024x128xi32>
    %add3A_79 = arith.addi %add3A_72, %mul3A_78 : vector<1024x128xi32>
    %slice3A_80 = vector.extract_strided_slice %get3A_2 {offsets = [0, 1408], sizes = [1024, 128], strides = [1, 1]} : vector<1024x2048xi32> to vector<1024x128xi32>
    %mul3A_81 = arith.muli %slice3A_80, %iota3A : vector<1024x128xi32>
    %add3A_82 = arith.addi %add3A_75, %mul3A_81 : vector<1024x128xi32>
    %mul3A_83 = arith.constant 11 : i32
    %mul3A_84 = vector.broadcast %mul3A_83 : i32 to vector<1024x128xi32>
    %mul3A_85 = arith.muli %slice3A_80, %mul3A_84 : vector<1024x128xi32>
    %add3A_86 = arith.addi %add3A_79, %mul3A_85 : vector<1024x128xi32>
    %slice3A_87 = vector.extract_strided_slice %get3A_2 {offsets = [0, 1536], sizes = [1024, 128], strides = [1, 1]} : vector<1024x2048xi32> to vector<1024x128xi32>
    %mul3A_88 = arith.muli %slice3A_87, %iota3A : vector<1024x128xi32>
    %add3A_89 = arith.addi %add3A_82, %mul3A_88 : vector<1024x128xi32>
    %mul3A_90 = arith.constant 12 : i32
    %mul3A_91 = vector.broadcast %mul3A_90 : i32 to vector<1024x128xi32>
    %mul3A_92 = arith.muli %slice3A_87, %mul3A_91 : vector<1024x128xi32>
    %add3A_93 = arith.addi %add3A_86, %mul3A_92 : vector<1024x128xi32>
    %slice3A_94 = vector.extract_strided_slice %get3A_2 {offsets = [0, 1664], sizes = [1024, 128], strides = [1, 1]} : vector<1024x2048xi32> to vector<1024x128xi32>
    %mul3A_95 = arith.muli %slice3A_94, %iota3A : vector<1024x128xi32>
    %add3A_96 = arith.addi %add3A_89, %mul3A_95 : vector<1024x128xi32>
    %mul3A_97 = arith.constant 13 : i32
    %mul3A_98 = vector.broadcast %mul3A_97 : i32 to vector<1024x128xi32>
    %mul3A_99 = arith.muli %slice3A_94, %mul3A_98 : vector<1024x128xi32>
    %add3A_100 = arith.addi %add3A_93, %mul3A_99 : vector<1024x128xi32>
    %slice3A_101 = vector.extract_strided_slice %get3A_2 {offsets = [0, 1792], sizes = [1024, 128], strides = [1, 1]} : vector<1024x2048xi32> to vector<1024x128xi32>
    %mul3A_102 = arith.muli %slice3A_101, %iota3A : vector<1024x128xi32>
    %add3A_103 = arith.addi %add3A_96, %mul3A_102 : vector<1024x128xi32>
    %mul3A_104 = arith.constant 14 : i32
    %mul3A_105 = vector.broadcast %mul3A_104 : i32 to vector<1024x128xi32>
    %mul3A_106 = arith.muli %slice3A_101, %mul3A_105 : vector<1024x128xi32>
    %add3A_107 = arith.addi %add3A_100, %mul3A_106 : vector<1024x128xi32>
    %slice3A_108 = vector.extract_strided_slice %get3A_2 {offsets = [0, 1920], sizes = [1024, 128], strides = [1, 1]} : vector<1024x2048xi32> to vector<1024x128xi32>
    %mul3A_109 = arith.muli %slice3A_108, %iota3A : vector<1024x128xi32>
    %add3A_110 = arith.addi %add3A_103, %mul3A_109 : vector<1024x128xi32>
    %mul3A_111 = arith.constant 15 : i32
    %mul3A_112 = vector.broadcast %mul3A_111 : i32 to vector<1024x128xi32>
    %mul3A_113 = arith.muli %slice3A_108, %mul3A_112 : vector<1024x128xi32>
    %add3A_114 = arith.addi %add3A_107, %mul3A_113 : vector<1024x128xi32>
    %reduce_sum3A = arith.constant dense<0> : vector<1024xi32>
    %reduce_sum3A_115 = vector.multi_reduction <add>, %add3A_110, %reduce_sum3A [1] : vector<1024x128xi32> to vector<1024xi32>
    %reduce_sum3A_116 = arith.constant dense<0> : vector<1024xi32>
    %reduce_sum3A_117 = vector.multi_reduction <add>, %add3A_114, %reduce_sum3A_116 [1] : vector<1024x128xi32> to vector<1024xi32>
    %mul3A_118 = arith.constant 4096 : i32
    %mul3A_119 = arith.muli %arg0, %mul3A_118 : i32
    %iota3A_120 = tpu.iota {dimensions = array<i32: 1>} : vector<1x1024xi32>
    %iota3A_121 = vector.shape_cast %iota3A_120 : vector<1x1024xi32> to vector<1024xi32>
    %mul3A_122 = arith.constant 4 : i32
    %mul3A_123 = vector.broadcast %mul3A_122 : i32 to vector<1024xi32>
    %mul3A_124 = arith.muli %mul3A_123, %iota3A_121 : vector<1024xi32>
    %add3A_125 = vector.broadcast %mul3A_119 : i32 to vector<1024xi32>
    %add3A_126 = arith.addi %add3A_125, %mul3A_124 : vector<1024xi32>
    %jit3A = arith.constant 2048 : i32
    %div3A = vector.broadcast %jit3A : i32 to vector<1024xi32>
    %div3A_127 = arith.divsi %add3A_126, %div3A : vector<1024xi32>
    %sign3A = arith.constant 0 : i32
    %sign3A_128 = vector.broadcast %sign3A : i32 to vector<1024xi32>
    %sign3A_129 = arith.cmpi sgt, %add3A_126, %sign3A_128 : vector<1024xi32>
    %sign3A_130 = arith.extui %sign3A_129 : vector<1024xi1> to vector<1024xi32>
    %sign3A_131 = arith.constant 0 : i32
    %sign3A_132 = vector.broadcast %sign3A_131 : i32 to vector<1024xi32>
    %sign3A_133 = arith.cmpi slt, %add3A_126, %sign3A_132 : vector<1024xi32>
    %sign3A_134 = arith.extui %sign3A_133 : vector<1024xi1> to vector<1024xi32>
    %sign3A_135 = arith.subi %sign3A_130, %sign3A_134 : vector<1024xi32>
    %sign3A_136 = arith.constant 0 : i32
    %sign3A_137 = arith.cmpi sgt, %jit3A, %sign3A_136 : i32
    %sign3A_138 = arith.extui %sign3A_137 : i1 to i32
    %sign3A_139 = arith.constant 0 : i32
    %sign3A_140 = arith.cmpi slt, %jit3A, %sign3A_139 : i32
    %sign3A_141 = arith.extui %sign3A_140 : i1 to i32
    %sign3A_142 = arith.subi %sign3A_138, %sign3A_141 : i32
    %ne3A = vector.broadcast %sign3A_142 : i32 to vector<1024xi32>
    %ne3A_143 = arith.cmpi ne, %sign3A_135, %ne3A : vector<1024xi32>
    %rem3A = vector.broadcast %jit3A : i32 to vector<1024xi32>
    %rem3A_144 = arith.remsi %add3A_126, %rem3A : vector<1024xi32>
    %ne3A_145 = arith.constant 0 : i32
    %ne3A_146 = vector.broadcast %ne3A_145 : i32 to vector<1024xi32>
    %ne3A_147 = arith.cmpi ne, %rem3A_144, %ne3A_146 : vector<1024xi32>
    %and3A = arith.andi %ne3A_143, %ne3A_147 : vector<1024xi1>
    %sub3A = arith.constant 1 : i32
    %sub3A_148 = vector.broadcast %sub3A : i32 to vector<1024xi32>
    %sub3A_149 = arith.subi %div3A_127, %sub3A_148 : vector<1024xi32>
    %select_n3A = arith.select %and3A, %sub3A_149, %div3A_127 : vector<1024xi1>, vector<1024xi32>
    %mul3A_150 = arith.constant 2048 : i32
    %mul3A_151 = vector.broadcast %mul3A_150 : i32 to vector<1024xi32>
    %mul3A_152 = arith.muli %select_n3A, %mul3A_151 : vector<1024xi32>
    %shift_right_arithmetic3A = arith.constant 0 : i32
    %shift_right_arithmetic3A_153 = vector.broadcast %shift_right_arithmetic3A : i32 to vector<1024xi32>
    %shift_right_arithmetic3A_154 = arith.shrsi %reduce_sum3A_115, %shift_right_arithmetic3A_153 : vector<1024xi32>
    %and3A_155 = arith.constant 255 : i32
    %and3A_156 = vector.broadcast %and3A_155 : i32 to vector<1024xi32>
    %and3A_157 = arith.andi %shift_right_arithmetic3A_154, %and3A_156 : vector<1024xi32>
    %shift_right_arithmetic3A_158 = arith.constant 0 : i32
    %shift_right_arithmetic3A_159 = vector.broadcast %shift_right_arithmetic3A_158 : i32 to vector<1024xi32>
    %shift_right_arithmetic3A_160 = arith.shrsi %reduce_sum3A_117, %shift_right_arithmetic3A_159 : vector<1024xi32>
    %and3A_161 = arith.constant 255 : i32
    %and3A_162 = vector.broadcast %and3A_161 : i32 to vector<1024xi32>
    %and3A_163 = arith.andi %shift_right_arithmetic3A_160, %and3A_162 : vector<1024xi32>
    %shift_left3A = arith.constant 7 : i32
    %shift_left3A_164 = vector.broadcast %shift_left3A : i32 to vector<1024xi32>
    %shift_left3A_165 = arith.shli %and3A_163, %shift_left3A_164 : vector<1024xi32>
    %add3A_166 = arith.addi %shift_left3A_165, %and3A_157 : vector<1024xi32>
    %add3A_167 = arith.addi %add3A_166, %mul3A_152 : vector<1024xi32>
    %swap3A = arith.constant 0 : index
    %swap3A_168 = arith.constant 0 : index
    %swap3A_169 = arith.constant 0 : index
    %swap3A_170 = vector.load %arg2[%swap3A, %swap3A_168, %swap3A_169] : memref<1x4x1024xi32, #tpu.memory_space<vmem>>, vector<1x1x1024xi32>
    %swap3A_171 = vector.shape_cast %swap3A_170 : vector<1x1x1024xi32> to vector<1024xi32>
    %swap3A_172 = vector.shape_cast %add3A_167 : vector<1024xi32> to vector<1x1x1024xi32>
    tpu.vector_store %arg2[%swap3A, %swap3A_168, %swap3A_169], %swap3A_172 {strides = array<i32>} : memref<1x4x1024xi32, #tpu.memory_space<vmem>>, vector<1x1x1024xi32>,
    %shift_right_arithmetic3A_173 = arith.constant 8 : i32
    %shift_right_arithmetic3A_174 = vector.broadcast %shift_right_arithmetic3A_173 : i32 to vector<1024xi32>
    %shift_right_arithmetic3A_175 = arith.shrsi %reduce_sum3A_115, %shift_right_arithmetic3A_174 : vector<1024xi32>
    %and3A_176 = arith.constant 255 : i32
    %and3A_177 = vector.broadcast %and3A_176 : i32 to vector<1024xi32>
    %and3A_178 = arith.andi %shift_right_arithmetic3A_175, %and3A_177 : vector<1024xi32>
    %shift_right_arithmetic3A_179 = arith.constant 8 : i32
    %shift_right_arithmetic3A_180 = vector.broadcast %shift_right_arithmetic3A_179 : i32 to vector<1024xi32>
    %shift_right_arithmetic3A_181 = arith.shrsi %reduce_sum3A_117, %shift_right_arithmetic3A_180 : vector<1024xi32>
    %and3A_182 = arith.constant 255 : i32
    %and3A_183 = vector.broadcast %and3A_182 : i32 to vector<1024xi32>
    %and3A_184 = arith.andi %shift_right_arithmetic3A_181, %and3A_183 : vector<1024xi32>
    %shift_left3A_185 = arith.constant 7 : i32
    %shift_left3A_186 = vector.broadcast %shift_left3A_185 : i32 to vector<1024xi32>
    %shift_left3A_187 = arith.shli %and3A_184, %shift_left3A_186 : vector<1024xi32>
    %add3A_188 = arith.addi %shift_left3A_187, %and3A_178 : vector<1024xi32>
    %add3A_189 = arith.addi %add3A_188, %mul3A_152 : vector<1024xi32>
    %swap3A_190 = arith.constant 0 : index
    %swap3A_191 = arith.constant 1 : index
    %swap3A_192 = arith.constant 0 : index
    %swap3A_193 = vector.load %arg2[%swap3A_190, %swap3A_191, %swap3A_192] : memref<1x4x1024xi32, #tpu.memory_space<vmem>>, vector<1x1x1024xi32>
    %swap3A_194 = vector.shape_cast %swap3A_193 : vector<1x1x1024xi32> to vector<1024xi32>
    %swap3A_195 = vector.shape_cast %add3A_189 : vector<1024xi32> to vector<1x1x1024xi32>
    tpu.vector_store %arg2[%swap3A_190, %swap3A_191, %swap3A_192], %swap3A_195 {strides = array<i32>} : memref<1x4x1024xi32, #tpu.memory_space<vmem>>, vector<1x1x1024xi32>,
    %shift_right_arithmetic3A_196 = arith.constant 16 : i32
    %shift_right_arithmetic3A_197 = vector.broadcast %shift_right_arithmetic3A_196 : i32 to vector<1024xi32>
    %shift_right_arithmetic3A_198 = arith.shrsi %reduce_sum3A_115, %shift_right_arithmetic3A_197 : vector<1024xi32>
    %and3A_199 = arith.constant 255 : i32
    %and3A_200 = vector.broadcast %and3A_199 : i32 to vector<1024xi32>
    %and3A_201 = arith.andi %shift_right_arithmetic3A_198, %and3A_200 : vector<1024xi32>
    %shift_right_arithmetic3A_202 = arith.constant 16 : i32
    %shift_right_arithmetic3A_203 = vector.broadcast %shift_right_arithmetic3A_202 : i32 to vector<1024xi32>
    %shift_right_arithmetic3A_204 = arith.shrsi %reduce_sum3A_117, %shift_right_arithmetic3A_203 : vector<1024xi32>
    %and3A_205 = arith.constant 255 : i32
    %and3A_206 = vector.broadcast %and3A_205 : i32 to vector<1024xi32>
    %and3A_207 = arith.andi %shift_right_arithmetic3A_204, %and3A_206 : vector<1024xi32>
    %shift_left3A_208 = arith.constant 7 : i32
    %shift_left3A_209 = vector.broadcast %shift_left3A_208 : i32 to vector<1024xi32>
    %shift_left3A_210 = arith.shli %and3A_207, %shift_left3A_209 : vector<1024xi32>
    %add3A_211 = arith.addi %shift_left3A_210, %and3A_201 : vector<1024xi32>
    %add3A_212 = arith.addi %add3A_211, %mul3A_152 : vector<1024xi32>
    %swap3A_213 = arith.constant 0 : index
    %swap3A_214 = arith.constant 2 : index
    %swap3A_215 = arith.constant 0 : index
    %swap3A_216 = vector.load %arg2[%swap3A_213, %swap3A_214, %swap3A_215] : memref<1x4x1024xi32, #tpu.memory_space<vmem>>, vector<1x1x1024xi32>
    %swap3A_217 = vector.shape_cast %swap3A_216 : vector<1x1x1024xi32> to vector<1024xi32>
    %swap3A_218 = vector.shape_cast %add3A_212 : vector<1024xi32> to vector<1x1x1024xi32>
    tpu.vector_store %arg2[%swap3A_213, %swap3A_214, %swap3A_215], %swap3A_218 {strides = array<i32>} : memref<1x4x1024xi32, #tpu.memory_space<vmem>>, vector<1x1x1024xi32>,
    %shift_right_arithmetic3A_219 = arith.constant 24 : i32
    %shift_right_arithmetic3A_220 = vector.broadcast %shift_right_arithmetic3A_219 : i32 to vector<1024xi32>
    %shift_right_arithmetic3A_221 = arith.shrsi %reduce_sum3A_115, %shift_right_arithmetic3A_220 : vector<1024xi32>
    %and3A_222 = arith.constant 255 : i32
    %and3A_223 = vector.broadcast %and3A_222 : i32 to vector<1024xi32>
    %and3A_224 = arith.andi %shift_right_arithmetic3A_221, %and3A_223 : vector<1024xi32>
    %shift_right_arithmetic3A_225 = arith.constant 24 : i32
    %shift_right_arithmetic3A_226 = vector.broadcast %shift_right_arithmetic3A_225 : i32 to vector<1024xi32>
    %shift_right_arithmetic3A_227 = arith.shrsi %reduce_sum3A_117, %shift_right_arithmetic3A_226 : vector<1024xi32>
    %and3A_228 = arith.constant 255 : i32
    %and3A_229 = vector.broadcast %and3A_228 : i32 to vector<1024xi32>
    %and3A_230 = arith.andi %shift_right_arithmetic3A_227, %and3A_229 : vector<1024xi32>
    %shift_left3A_231 = arith.constant 7 : i32
    %shift_left3A_232 = vector.broadcast %shift_left3A_231 : i32 to vector<1024xi32>
    %shift_left3A_233 = arith.shli %and3A_230, %shift_left3A_232 : vector<1024xi32>
    %add3A_234 = arith.addi %shift_left3A_233, %and3A_224 : vector<1024xi32>
    %add3A_235 = arith.addi %add3A_234, %mul3A_152 : vector<1024xi32>
    %swap3A_236 = arith.constant 0 : index
    %swap3A_237 = arith.constant 3 : index
    %swap3A_238 = arith.constant 0 : index
    %swap3A_239 = vector.load %arg2[%swap3A_236, %swap3A_237, %swap3A_238] : memref<1x4x1024xi32, #tpu.memory_space<vmem>>, vector<1x1x1024xi32>
    %swap3A_240 = vector.shape_cast %swap3A_239 : vector<1x1x1024xi32> to vector<1024xi32>
    %swap3A_241 = vector.shape_cast %add3A_235 : vector<1024xi32> to vector<1x1x1024xi32>
    tpu.vector_store %arg2[%swap3A_236, %swap3A_237, %swap3A_238], %swap3A_241 {strides = array<i32>} : memref<1x4x1024xi32, #tpu.memory_space<vmem>>, vector<1x1x1024xi32>,
    return
  }
  func.func @transform_0(%arg0: i32) -> (i32, i32) {
    %c0_i32 = arith.constant 0 : i32
    %c0_i32_0 = arith.constant 0 : i32
    return %arg0, %c0_i32 : i32, i32
  }
  func.func @transform_1(%arg0: i32) -> (i32, i32, i32) {
    %c0_i32 = arith.constant 0 : i32
    %c0_i32_0 = arith.constant 0 : i32
    %c0_i32_1 = arith.constant 0 : i32
    return %arg0, %c0_i32, %c0_i32_0 : i32, i32, i32
  }
}

</mosaic_0001>

<sc_bundles>
// kernel: kernel.4.cloned.1.call-start
scs
__scs_entry_jumppad:
0x0: {  	(pc) =	sbr.rel $0x88, $3  }
0x1: {  	(tag) =	ssettag $0x0;
	lr =	simm.s32 $0x1  }
0x2: {  	[smem:$0x3F9F] =	sst lr;
	_ =	strace $0xD0000000  }
0x3: {  	_ = 	snop  }
0x4: {  	_ = 	snop  }
0x5: {  	_ = 	snop  }
0x6: {  	_ = 	snop  }
0x7: {  	_ = 	snop  }
__scs_overlays_trampoline_lowered:
0x8: {  	[smem:$0x3FAE] =	sst s0  }
0x9: {  	[smem:$0x3FAF] =	sst s1  }
0xa: {  	[smem:$0x3FB0] =	sst s2  }
0xb: {  	[smem:$0x3FB1] =	sst s3  }
0xc: {  	[smem:$0x3FB2] =	sst s4  }
0xd: {  	[smem:$0x3FB3] =	sst s5  }
0xe: {  	[smem:$0x3FB4] =	sst s6  }
0xf: {  	[smem:$0x3FB5] =	sst s7  }
0x10: {  	[smem:$0x3FB6] =	sst s8  }
0x11: {  	[smem:$0x3FB7] =	sst s9;
	s0 =	simm.s32 @!p0 $0x0  }
0x12: {  	s1 =	sld [smem:$0x3F9D];
	s0 =	simm.s32 @p0 $0x1  }
0x13: {  	[smem:$0x3FB8] =	sst s0;
	s0 =	simm.s32 @!p1 $0x0  }
0x14: {  	s2 =	sld [smem:$0x3F9C];
	s0 =	simm.s32 @p1 $0x1  }
0x15: {  	[smem:$0x3FB9] =	sst s0;
	s0 =	simm.s32 @!p2 $0x0  }
0x16: {  	s3 =	sld [smem:$0x3FDB];
	s0 =	simm.s32 @p2 $0x1  }
0x17: {  	s4 =	simm.s32 $0x1BF5;
	[smem:$0x3FBB] =	sst s0  }
0x18: {  	s0 =	sld [smem:$0x3F9E];
	_ =	swait.ge [sflag:s4], $0x0  }
0x19: {  	s7 =	sld [smem:$0x3F9F]  }
0x1a: {  	s8 =	sadd.s32 $0xFFFFE003, lr  }
0x1b: {  	s9 =	sadd.s32 $0xFFFFFEF7, lr;
	s5 =	simm.s32 $0xFFFFFFFF;
	p2 =	slt.u32 s8, $0xFFFFF086  }
0x1c: {  	p1 =	slt.u32 s9, $0xF7A;
	s5 =	simm.s32 @!p2 $0x0  }
0x1d: {  	s5 =	simm.s32 @p1 $0x1;
	p0 =	seq.s32 s7, s2  }
0x1e: {  	s7 =	smul.u32 @!p0 $0xF7A, s2;
	p2 =	seq.s32 @!p0 s5, $0x0  }
0x1f: {  	s9 =	smul.u32 $0xF7A, s1;
	s8 =	simm.s32 @!p0 $0x1BF5;
	p2 =	por !p2, p0  }
0x20: {  	[sflag:s8] =	ssyncset.s32 @!p0 $0xFFFFF086;
	s6 =	sadd.s32 @!p0 s3, s7;
	s7 =	simm.s32 @!p0 $0x108  }
0x21: {  	s3 =	sadd.s32 s3, s9;
	s6 =	sadd.s32 @!p0 $0x88, s6;
	s7 =	simm.s32 @p2 $0x1082  }
0x22: {  	[simem:s7], [sflag:s8] =	dma.local @!p0 [hbm:s6], $0xF7A  }
0x23: {  	s9 =	sor.u32 $0xD0000000, s2;
	s6 =	simm.s32 $0x108;
	_ =	swait.ge @!p0 [sflag:s8], $0x0  }
0x24: {  	s3 =	sadd.s32 $0x88, s3;
	s6 =	simm.s32 @!p1 $0x1082;
	[sflag:s4] =	ssyncset.s32 $0xFFFFF086  }
0x25: {  	[simem:s6], [sflag:s4] =	dma.local [hbm:s3], $0xF7A  }
0x26: {  	[smem:$0x3F9F] =	sst s1;
	(tag) =	ssettag s2;
	_ =	strace s9  }
0x27: {  	s1 =	sld [smem:$0x3FAF]  }
0x28: {  	s2 =	sld [smem:$0x3FB0]  }
0x29: {  	s4 =	sld [smem:$0x3FB2]  }
0x2a: {  	p0 =	seq.s32 s5, $0x0;
	s5 =	sld [smem:$0x3FB3]  }
0x2b: {  	s6 =	sld [smem:$0x3FB4]  }
0x2c: {  	s7 =	sld [smem:$0x3FB5]  }
0x2d: {  	s3 =	simm.s32 $0x108;
	s8 =	sld [smem:$0x3FB6]  }
0x2e: {  	s3 =	simm.s32 @!p0 $0x1082;
	s9 =	sld [smem:$0x3FB7]  }
0x2f: {  	lr =	sadd.s32 s0, s3;
	s0 =	sld [smem:$0x3FAE]  }
0x30: {  	s3 =	sld [smem:$0x3FB1]  }
0x31: {  	[smem:$0x3FBA] =	sst s10  }
0x32: {  	s10 =	sld [smem:$0x3FB8];
	_ =	sdelay $0x3  }
0x33: {  	p0 =	seq.s32 s10, $0x1;
	s10 =	sld [smem:$0x3FBA];
	_ =	sdelay $0x3  }
0x34: {  	[smem:$0x3FBA] =	sst s10  }
0x35: {  	s10 =	sld [smem:$0x3FB9];
	_ =	sdelay $0x3  }
0x36: {  	p1 =	seq.s32 s10, $0x1;
	s10 =	sld [smem:$0x3FBA];
	_ =	sdelay $0x3  }
0x37: {  	[smem:$0x3FBA] =	sst s10  }
0x38: {  	s10 =	sld [smem:$0x3FBB]  }
0x39: {  	_ = 	snop;
	(pc) =	sbr.ind lr, $3  }
0x3a: {  	_ = 	snop  }
0x3b: {  	_ = 	snop  }
0x3c: {  	p2 =	seq.s32 s10, $0x1;
	s10 =	sld [smem:$0x3FBA]  }
0x3d: {  	_ =	shalt  }
0x3e: {  	_ =	shalt  }
0x3f: {  	_ =	shalt  }
0x40: {  	_ =	shalt  }
0x41: {  	_ =	shalt  }
0x42: {  	_ =	shalt  }
0x43: {  	_ =	shalt  }
0x44: {  	_ =	shalt  }
0x45: {  	_ =	shalt  }
0x46: {  	_ =	shalt  }
0x47: {  	_ =	shalt  }
0x48: {  	_ =	shalt  }
0x49: {  	_ =	shalt  }
0x4a: {  	_ =	shalt  }
0x4b: {  	_ =	shalt  }
0x4c: {  	_ =	shalt  }
0x4d: {  	_ =	shalt  }
0x4e: {  	_ =	shalt  }
0x4f: {  	_ =	shalt  }
0x50: {  	_ =	shalt  }
0x51: {  	_ =	shalt  }
0x52: {  	_ =	shalt  }
0x53: {  	_ =	shalt  }
0x54: {  	_ =	shalt  }
0x55: {  	_ =	shalt  }
0x56: {  	_ =	shalt  }
0x57: {  	_ =	shalt  }
0x58: {  	_ =	shalt  }
0x59: {  	_ =	shalt  }
0x5a: {  	_ =	shalt  }
0x5b: {  	_ =	shalt  }
0x5c: {  	_ =	shalt  }
0x5d: {  	_ =	shalt  }
0x5e: {  	_ =	shalt  }
0x5f: {  	_ =	shalt  }
0x60: {  	_ =	shalt  }
0x61: {  	_ =	shalt  }
0x62: {  	_ =	shalt  }
0x63: {  	_ =	shalt  }
0x64: {  	_ =	shalt  }
0x65: {  	_ =	shalt  }
0x66: {  	_ =	shalt  }
0x67: {  	_ =	shalt  }
0x68: {  	_ =	shalt  }
0x69: {  	_ =	shalt  }
0x6a: {  	_ =	shalt  }
0x6b: {  	_ =	shalt  }
0x6c: {  	_ =	shalt  }
0x6d: {  	_ =	shalt  }
0x6e: {  	_ =	shalt  }
0x6f: {  	_ =	shalt  }
0x70: {  	_ =	shalt  }
0x71: {  	_ =	shalt  }
0x72: {  	_ =	shalt  }
0x73: {  	_ =	shalt  }
0x74: {  	_ =	shalt  }
0x75: {  	_ =	shalt  }
0x76: {  	_ =	shalt  }
0x77: {  	_ =	shalt  }
0x78: {  	_ =	shalt  }
0x79: {  	_ =	shalt  }
0x7a: {  	_ =	shalt  }
0x7b: {  	_ =	shalt  }
0x7c: {  	_ =	shalt  }
0x7d: {  	_ =	shalt  }
0x7e: {  	_ =	shalt  }
0x7f: {  	_ =	shalt  }
0x80: {  	_ =	shalt  }
0x81: {  	_ =	shalt  }
0x82: {  	_ =	shalt  }
0x83: {  	_ =	shalt  }
0x84: {  	_ =	shalt  }
0x85: {  	_ =	shalt  }
0x86: {  	_ =	shalt  }
0x87: {  	_ =	shalt  }
.Lfunc_end0:
.L_simem_size_0:
called_computation_lowered:
.L_overlay_start_0:
0x88: {  	s2 =	sld [smem:$0x3FD9]  }
0x89: {  	s3 =	sld [smem:$0x3FFE];
	_ =	sdelay $0x1  }
0x8a: {  	s1 =	srdreg.scid  }
0x8b: {  	s0 =	sand.u32 $0x1, s1  }
0x8c: {  	s17 =	sshll.u32 s0, $0xA;
	s2 =	sadd.s32 s3, s2  }
0x8d: {  	s2 =	sadd.s32 s2, s17  }
0x8e: {  	[smem:$0x3FC6] =	sst s2  }
0x8f: {  	_ = 	snop  }
0x90: {  	s2 =	sld [smem:$0x3FC9]  }
0x91: {  	s18 =	sld [smem:$0x3FD0];
	(tm) =	ssettm $0x1  }
0x92: {  	s4 =	sld [smem:$0x3FFB];
	_ =	sdelay $0x3  }
0x93: {  	_ =	strace s4  }
0x94: {  	s4 =	sld [smem:$0x3FFC];
	_ =	sdelay $0x3  }
0x95: {  	_ =	strace s4  }
0x96: {  	s4 =	sld [smem:$0x3FFD];
	_ =	sdelay $0x3  }
0x97: {  	_ =	strace s4  }
0x98: {  	_ =	strace $0x8FFFFFFF  }
0x99: {  	s19 =	sld [smem:$0x3FDB];
	_ =	sdelay $0x1  }
0x9a: {  	s5 =	simm.s32 $_scs_section_size  }
0x9b: {  	s6 =	simm.s32 $_size__tile_overlayer_lowered;
	s7 =	simm.s32 $_tile_overlayer_lowered  }
0x9c: {  	s22 =	simm.s32 $0x1BFF;
	s21 =	sshll.u32 s7, $0x1;
	s4 =	sadd.s32 s5, s19  }
0x9d: {  	s8 =	simm.s32 $0x0;
	s20 =	sshll.u32 s6, $0x1;
	s6 =	sadd.s32 s21, s4  }
0x9e: {  	[timem:s8], [sflag:s22] =	dma.local [hbm:s6], s20  }
0x9f: {  	_ =	swait.ge [sflag:s22], s20  }
0xa0: {  	s5 =	ssub.s32 $0x0, s20;
	[sflag:s22] =	ssyncset.done $0x0  }
0xa1: {  	[sflag:s22] =	ssyncadd.s32 s5;
	_ =	sdelay $0x1  }
0xa2: {  	s23 =	simm.s32 $0x1B8B  }
0xa3: {  	_ =	swait.ge [sflag:s23], $0x1  }
0xa4: {  	[sflag:s23] =	ssyncset.done $0x0  }
0xa5: {  	s25 =	simm.s32 $0x1B8E;
	s24 =	sld [smem:$0x3FFE];
	[sflag:s23] =	ssyncadd.s32 $0xFFFFFFFF  }
0xa6: {  	s26 =	simm.s32 $execute0_lowered;
	[smem:$0x3FD2] =	sst s25  }
0xa7: {  	s6 =	sshll.u32 s26, $0x1;
	_ =	strace $0x80000046;
	[dreg:$0x1] =	wrdreg $0xFFFFFFFF  }
0xa8: {  	s28 =	simm.s32 $_size_execute0_lowered;
	s4 =	sadd.s32 s4, s6;
	[dreg:$0x0] =	wrdreg $0x0  }
0xa9: {  	s6 =	sshll.u32 s28, $0x1;
	[dreg:$0x2] =	wrdreg s4  }
0xaa: {  	[dreg:$0x3] =	wrdreg s6  }
0xab: {  	[dreg:$0x4] =	wrdreg $0xC0  }
0xac: {  	_ =	task [dreg:s8], $0x5FFFF  }
0xad: {  	[dreg:$0x1] =	wrdreg $0xFFFFFFFF  }
0xae: {  	[dreg:$0x0] =	wrdreg $0x60  }
0xaf: {  	[dreg:$0x2] =	wrdreg s2  }
0xb0: {  	[dreg:$0x3] =	wrdreg s24  }
0xb1: {  	[dreg:$0x4] =	wrdreg s18  }
0xb2: {  	[dreg:$0x5] =	wrdreg $0x9  }
0xb3: {  	_ =	task.clear_ibuf [dreg:s8], $0x6FFFF;
	_ =	strace $0x90000046  }
0xb4: {  	s29 =	simm.s32 $0x9;
	_ =	strace $0x80000048  }
0xb5: {  	_ =	swait.ge [sflag:s29], $0x1  }
0xb6: {  	[sflag:s29] =	ssyncadd.s32 $0xFFFFFFFF  }
0xb7: {  	_ =	strace $0x90000048  }
0xb8: {  	_ =	sfence  }
0xb9: {  	s30 =	sld [smem:$0x0];
	_ =	sdelay $0x2  }
0xba: {  	s31 =	sshll.u32 s1, $0xD;
	s1 =	sshrl.u32 s1, $0x2  }
0xbb: {  	s3 =	sand.u32 $0x4000, s31;
	s1 =	sadd.s32 s1, s30  }
0xbc: {  	s0 =	sor.u32 s3, s0;
	s1 =	sshll.u32 s1, $0x11  }
0xbd: {  	s0 =	sor.u32 s1, s0  }
0xbe: {  	s0 =	sadd.s32 $0x8F2B, s0  }
0xbf: {  	[sflag:s0] =	ssyncadd.remote.s32 $0x1  }
0xc0: {  	_ =	sfence.sel $0xFFFF  }
0xc1: {  	[dreg:$0x0] =	wrdreg $0xFFFFFFFF;
	(pc) =	sbr.abs _section_cstart, $3  }
0xc2: {  	[dreg:$0x1] =	wrdreg $0xFFFFFFFF  }
0xc3: {  	_ =	task.clear_ibuf [dreg:s8], $0x2FFFF;
	_ =	strace $0x9FFFFFFF  }
0xc4: {  	(tm) =	ssettm $0x7FFFFFFF  }
0xc5: {  	_ =	shalt  }
tec
execute0_lowered:
.L_overlay_start_1:
0x0: {  	(tag) =	ssettag $0x1  }
0x1: {  	s1 =	rddreg [dreg:$0x0]  }
0x2: {  	s4 =	rddreg [dreg:$0x1];
	s0 =	srdreg.scid  }
0x3: {  	s14 =	rddreg [dreg:$0x2];
	s15 =	sand.u32 $0x1, s0  }
0x4: {  	s2 =	stileid.u32;
	s3 =	simm.s32 $0x0;
	s5 =	sshll.u32 s15, $0x6  }
0x5: {  	s0 =	rddreg [dreg:$0x3];
	s29 =	sshll.u32 s2, $0x7;
	s4 =	sadd.s32 s5, s4  }
0x6: {  	[smem:$0x7FF] =	sst s3;
	s4 =	sadd.s32 s29, s4  }
0x7: {  	_ =	strace $0x80000047;
	s5 =	sadd.s32 $0x400, s4;
	s4 =	simm.s32 $0x2  }
0x8: {  	[tilespmem:s3], [sflag:$0x2] =	stream.linear.gather [hbm4b:s5+s3], $0x200, $0x38;
	[tilespmem:$0x10200] =	vst v63  }
0x9: {  	_ =	swait.ge [sflag:s4], $0x200  }
0xa: {  	[sflag:s4] =	ssyncset.done $0x0  }
0xb: {  	s6 =	simm.s32 $0x80;
	s7 =	simm.s32 $0x200;
	[sflag:s4] =	ssyncadd.s32 $0xFFFFFE00  }
0xc: {  	[tilespmem:s7], [sflag:$0x1] =	stream.indirect.gather [hbm4b:s1+s6], $0x80, s3, s6, $0xb8;
	[tilespmem:$0x10200] =	vst v63  }
0xd: {  	s8 =	simm.s32 $0x4200  }
0xe: {  	[tilespmem:s8], [sflag:$0x1] =	stream.indirect.gather [hbm4b:s1+s6], $0x80, s6, s6, $0xb8;
	[tilespmem:$0x10200] =	vst v63  }
0xf: {  	s9 =	simm.s32 $0x100;
	s10 =	simm.s32 $0x8200  }
0x10: {  	[tilespmem:s10], [sflag:$0x1] =	stream.indirect.gather [hbm4b:s1+s6], $0x80, s9, s6, $0xb8;
	[tilespmem:$0x10200] =	vst v63  }
0x11: {  	s11 =	simm.s32 $0x180;
	s12 =	simm.s32 $0xC200;
	s13 =	simm.s32 $0x1  }
0x12: {  	[tilespmem:s12], [sflag:$0x1] =	stream.indirect.gather [hbm4b:s1+s6], $0x80, s11, s6, $0xb8;
	[tilespmem:$0x10200] =	vst v63  }
0x13: {  	_ =	swait.ge [sflag:s13], $0x4000  }
0x14: {  	[sflag:s13] =	ssyncset.done $0x0  }
0x15: {  	[sflag:s13] =	ssyncadd.s32 $0xFFFFC000  }
0x16: {  	_ =	swait.ge [sflag:s13], $0x4000  }
0x17: {  	[sflag:s13] =	ssyncset.done $0x0  }
0x18: {  	s16 =	ssub.s32 $0x2, s15;
	[sflag:s13] =	ssyncadd.s32 $0xFFFFC000  }
0x19: {  	s17 =	sshrl.u32 s16, $0x1;
	_ =	swait.ge [sflag:s13], $0x4000  }
0x1a: {  	s16 =	ssub.s32 s16, s17;
	[sflag:s13] =	ssyncset.done $0x0  }
0x1b: {  	s30 =	sshll.u32 s2, $0xE;
	s31 =	smax.u32 s16, $0x1;
	[sflag:s13] =	ssyncadd.s32 $0xFFFFC000  }
0x1c: {  	s15 =	sshll.u32 s15, $0xD;
	p0 =	sne.s32 s31, $0x1;
	_ =	swait.ge [sflag:s13], $0x4000  }
.Ltmp0:
0x1d: {  	s14 =	sadd.s32 s14, s15;
	[sflag:s13] =	ssyncset.done $0x0;
	(pc) =	sbr.rel @!p0 .LBB2_2-.Ltmp0, $4  }
0x1e: {  	s14 =	sadd.s32 s30, s14;
	[sflag:s13] =	ssyncadd.s32 $0xFFFFC000  }
0x1f: {  	[hbm4b:s14+s3] =	stream.linear.scatter [tilespmem:s7], [sflag:$0x2], $0x10000, $0x38;
	[tilespmem:$0x10200] =	vst v63  }
0x20: {  	_ =	swait.ge [sflag:s4], $0x10000  }
0x21: {  	s15 =	sadd.s32 $0xFFFFFFFF, s31;
	[sflag:s4] =	ssyncset.done $0x0  }
.LBB2_1:
0x22: {  	p0 =	sne.s32 s15, $0x1;
	s15 =	sadd.s32 $0xFFFFFFFF, s15;
	[sflag:s4] =	ssyncadd.s32 $0xFFFF0000  }
0x23: {  	[tilespmem:s3], [sflag:$0x2] =	stream.linear.gather [hbm4b:s5+s3], $0x200, $0x38;
	[tilespmem:$0x10200] =	vst v63  }
0x24: {  	_ =	swait.ge [sflag:s4], $0x200  }
0x25: {  	[sflag:s4] =	ssyncset.done $0x0  }
0x26: {  	[sflag:s4] =	ssyncadd.s32 $0xFFFFFE00  }
0x27: {  	[tilespmem:s7], [sflag:$0x1] =	stream.indirect.gather [hbm4b:s1+s6], $0x80, s3, s6, $0xb8;
	[tilespmem:$0x10200] =	vst v63  }
0x28: {  	_ = 	snop  }
0x29: {  	[tilespmem:s8], [sflag:$0x1] =	stream.indirect.gather [hbm4b:s1+s6], $0x80, s6, s6, $0xb8;
	[tilespmem:$0x10200] =	vst v63  }
0x2a: {  	_ = 	snop  }
0x2b: {  	[tilespmem:s10], [sflag:$0x1] =	stream.indirect.gather [hbm4b:s1+s6], $0x80, s9, s6, $0xb8;
	[tilespmem:$0x10200] =	vst v63  }
0x2c: {  	_ = 	snop  }
0x2d: {  	[tilespmem:s12], [sflag:$0x1] =	stream.indirect.gather [hbm4b:s1+s6], $0x80, s11, s6, $0xb8;
	[tilespmem:$0x10200] =	vst v63  }
0x2e: {  	_ =	swait.ge [sflag:s13], $0x4000  }
0x2f: {  	[sflag:s13] =	ssyncset.done $0x0  }
0x30: {  	[sflag:s13] =	ssyncadd.s32 $0xFFFFC000  }
0x31: {  	_ =	swait.ge [sflag:s13], $0x4000  }
0x32: {  	[sflag:s13] =	ssyncset.done $0x0  }
0x33: {  	[sflag:s13] =	ssyncadd.s32 $0xFFFFC000  }
0x34: {  	_ =	swait.ge [sflag:s13], $0x4000  }
0x35: {  	[sflag:s13] =	ssyncset.done $0x0  }
0x36: {  	[sflag:s13] =	ssyncadd.s32 $0xFFFFC000  }
0x37: {  	_ =	swait.ge [sflag:s13], $0x4000  }
.Ltmp1:
0x38: {  	[sflag:s13] =	ssyncset.done $0x0;
	(pc) =	sbr.rel @p0 .LBB2_1-.Ltmp1, $4  }
0x39: {  	[sflag:s13] =	ssyncadd.s32 $0xFFFFC000  }
0x3a: {  	[hbm4b:s14+s3] =	stream.linear.scatter [tilespmem:s7], [sflag:$0x2], $0x10000, $0x38;
	[tilespmem:$0x10200] =	vst v63  }
0x3b: {  	_ =	swait.ge [sflag:s4], $0x10000  }
0x3c: {  	[sflag:s4] =	ssyncset.done $0x0  }
.LBB2_2:
0x3d: {  	[sflag:s4] =	ssyncadd.s32 $0xFFFF0000  }
0x3e: {  	_ =	sfence.sel $0x180000  }
0x3f: {  	[bflag:$0x0] =	sbarrier.arrive $0xFFFF  }
0x40: {  	p0 =	sne.s32 s2, $0x0;
	_ =	strace $0x90000047  }
0x41: {  	s0 =	sadd.s32 @!p0 $0x100000, s0;
	[bflag:$0x2] =	sbarrier.arrive $0xFFFF  }
0x42: {  	[sflag:s0] =	ssyncadd.tile.s32 @!p0 $0x1;
	_ =	shalt  }
.Lfunc_end2:
_tile_overlayer_lowered:
.L_overlay_start_2:
0x43: {  	(tag) =	ssettag $0x2  }
0x44: {  	s0 =	rddreg [dreg:$0x0];
	s2 =	stileid.u32  }
0x45: {  	s1 =	rddreg [dreg:$0x1];
	p0 =	sne.s32 s2, $0x0  }
0x46: {  	s3 =	rddreg [dreg:$0x2];
	[bflag:$0x3] =	sbarrier.arrive $0xFFFF;
	s2 =	simm.s32 @!p0 $0x1C02  }
0x47: {  	[timem:s3], [sflag:s2] =	dma.local @!p0 [hbm:s0], s1  }
0x48: {  	s0 =	simm.s32 @!p0 $0x2  }
0x49: {  	_ =	swait.ge @!p0 [sflag:s0], s1  }
0x4a: {  	s1 =	ssub.s32 @!p0 $0x0, s1;
	[sflag:s0] =	ssyncset.done @!p0 $0x0  }
0x4b: {  	[sflag:s0] =	ssyncadd.s32 @!p0 s1  }
0x4c: {  	[bflag:$0x3] =	sbarrier.arrive $0xFFFF  }
0x4d: {  	_ =	shalt  }

</sc_bundles>
